<compile_context>
chip_gen: v7x
topology: tpu7x:2x2x1
jax: 0.10.2.dev20260603
libtpu: 0.0.44.dev20260713+nightly
codegen_flags: <defaults>
</compile_context>

<pallas_src>
import functools

import jax
import jax.numpy as jnp
import numpy as np
from jax import lax
from jax.experimental import pallas as pl
from jax.experimental.pallas import tpu as pltpu
from jax.experimental.pallas import tpu_sc as plsc

_F = 26
_D = 64
_B = 4096
_P = _F * (_F - 1) // 2
_EMBED_OUT = _F * _D
_HX = 384

_rows, _cols = np.triu_indices(_F, k=1)
_pid = np.zeros((_F, _F), dtype=np.int32)
for _p, (_r, _c) in enumerate(zip(_rows, _cols)):
    _pid[_r, _c] = _p
_src = np.zeros((_P,), dtype=np.int32)
_fi = np.zeros((_P,), dtype=np.int32)
_gi = np.zeros((_P,), dtype=np.int32)
_j = 0
for _k in range(1, _F):
    for _f in range(_F - _k):
        _src[_j] = _pid[_f, _f + _k]
        _fi[_j] = _f
        _gi[_j] = _f + _k
        _j += 1
_oh_f = np.zeros((_P, _F), dtype=np.float32)
_oh_g = np.zeros((_P, _F), dtype=np.float32)
_oh_f[np.arange(_P), _fi] = 1.0
_oh_g[np.arange(_P), _gi] = 1.0
_SEGN = 32
_sel = (np.arange(_EMBED_OUT)[:, None] // _D
        == np.arange(_SEGN)[None, :]).astype(np.float32)
_NC = 2
_NS = 16
_NW = _NC * _NS
_ROWS = _B * _F
_B_PER_W = _ROWS // _NW
_N_CHUNK = 2
_CHUNK = _B_PER_W // _N_CHUNK


def _sc_gather_body(table_hbm, idx_hbm, out_hbm, idx_v, rows_v, sem):
    wid = lax.axis_index("s") * _NC + lax.axis_index("c")
    base = wid * _B_PER_W
    for c in range(_N_CHUNK):
        off = base + c * _CHUNK
        pltpu.sync_copy(idx_hbm.at[pl.ds(off, _CHUNK)], idx_v)
        pltpu.async_copy(table_hbm.at[idx_v], rows_v, sem).wait()
        pltpu.sync_copy(rows_v, out_hbm.at[pl.ds(off, _CHUNK)])


@functools.cache
def _sc_gather_kernel():
    return pl.kernel(
        _sc_gather_body,
        mesh=plsc.VectorSubcoreMesh(core_axis_name="c", subcore_axis_name="s"),
        out_type=jax.ShapeDtypeStruct((_ROWS, _D), jnp.float32),
        scratch_types=[
            pltpu.VMEM((_CHUNK,), jnp.int32),
            pltpu.VMEM((_CHUNK, _D), jnp.float32),
            pltpu.SemaphoreType.DMA,
        ],
        compiler_params=pltpu.CompilerParams(use_tc_tiling_on_sc=False),
    )


def _sc_gather(table, idx):
    return _sc_gather_kernel()(table, idx)


_BT = 256


def _tc_body(xvf_ref, sel_ref, w1f_ref, w1p_ref, b1_ref, w2_ref, b2_ref,
             w3_ref, b3_ref, wo_ref, bo_ref, out_ref):
    flat32 = xvf_ref[...]
    flat = flat32.astype(jnp.bfloat16)
    acc = jnp.dot(flat, w1f_ref[...], preferred_element_type=jnp.float32)
    pieces = []
    for k in range(1, _F):
        w = _EMBED_OUT - _D * k
        m = flat32[:, :w] * flat32[:, _D * k:]
        r = jnp.dot(m, sel_ref[:w, :], preferred_element_type=jnp.float32)
        pieces.append(r[:, :_F - k])
    pieces.append(jnp.zeros((_BT, _HX - _P), jnp.float32))
    hx = jnp.concatenate(pieces, axis=1).astype(jnp.bfloat16)
    acc = acc + jnp.dot(hx, w1p_ref[...], preferred_element_type=jnp.float32)
    h = jnp.maximum(acc + b1_ref[...], 0.0).astype(jnp.bfloat16)
    h = jnp.maximum(
        jnp.dot(h, w2_ref[...], preferred_element_type=jnp.float32)
        + b2_ref[...], 0.0).astype(jnp.bfloat16)
    h = jnp.maximum(
        jnp.dot(h, w3_ref[...], preferred_element_type=jnp.float32)
        + b3_ref[...], 0.0).astype(jnp.bfloat16)
    out_ref[...] = (
        jnp.dot(h, wo_ref[...], preferred_element_type=jnp.float32)
        + bo_ref[...])


def _tc_mlp(xvf, sel, w1f, w1p, b1, w2, b2, w3, b3, wo, bo):
    grid = (_B // _BT,)
    full = lambda shape: pl.BlockSpec(shape, lambda i: (0,) * len(shape))
    return pl.pallas_call(
        _tc_body,
        grid=grid,
        in_specs=[
            pl.BlockSpec((_BT, _EMBED_OUT), lambda i: (i, 0)),
            full(sel.shape),
            full(w1f.shape),
            full(w1p.shape),
            full(b1.shape),
            full(w2.shape),
            full(b2.shape),
            full(w3.shape),
            full(b3.shape),
            full(wo.shape),
            full(bo.shape),
        ],
        out_specs=pl.BlockSpec((_BT, 1), lambda i: (i, 0)),
        out_shape=jax.ShapeDtypeStruct((_B, 1), jnp.float32),
        compiler_params=pltpu.CompilerParams(
            dimension_semantics=("parallel",)),
    )(xvf, sel, w1f, w1p, b1, w2, b2, w3, b3, wo, bo)


def kernel(x, beta, arch, embedding, W1, b1, W2, b2, W3, b3, Wo, bo):
    prob = jax.nn.softmax(arch / beta, axis=0)
    w1f = W1[:_EMBED_OUT] * jnp.repeat(prob, _D)[:, None]
    scale = (_oh_f @ prob) * (_oh_g @ prob)
    w1p = jnp.concatenate(
        [W1[_EMBED_OUT:][_src] * scale[:, None],
         jnp.zeros((_HX - _P, W1.shape[1]), jnp.float32)], axis=0)

    idx = x.reshape(-1).astype(jnp.int32)
    gathered = _sc_gather(embedding, idx)
    xvf = gathered.reshape(_B, _EMBED_OUT)

    out = _tc_mlp(
        xvf, jnp.asarray(_sel, jnp.float32),
        w1f.astype(jnp.bfloat16), w1p.astype(jnp.bfloat16),
        b1.reshape(1, -1), W2.astype(jnp.bfloat16), b2.reshape(1, -1),
        W3.astype(jnp.bfloat16), b3.reshape(1, -1),
        Wo.astype(jnp.bfloat16), bo.reshape(1, 1))
    return out[:, 0]

# --- scband reference (transcript-rebuilt; emitter-appended) ---
"""Pipeline reference for scband-ipnn-search-7859790151731 (READ-ONLY COPY).

The authoritative reference and input builder live on the scoring server;
editing this copy changes nothing except your own understanding.
"""

import jax, jax.numpy as jnp
import numpy as np

FIELD_NUM = 26
LATENT = 64
FEATURE_NUM = 26000
BATCH = 4096
EMBED_OUT = FIELD_NUM * LATENT
PROD_OUT = FIELD_NUM * (FIELD_NUM - 1) // 2
DNN_IN = EMBED_OUT + PROD_OUT
MLP_DIMS = [1024, 512, 256]


def setup_inputs(seed: int = 0) -> dict:
    key = jax.random.key(seed)
    ks = jax.random.split(key, 16)
    x = jax.random.randint(ks[0], (BATCH, FIELD_NUM), 0, FEATURE_NUM, dtype=jnp.int64 if jax.config.jax_enable_x64 else jnp.int32)
    arch = jax.random.normal(ks[1], (FIELD_NUM,), dtype=jnp.float32)
    # xavier-uniform embedding table
    bound = float(np.sqrt(6.0 / (FEATURE_NUM + LATENT)))
    embedding = jax.random.uniform(ks[2], (FEATURE_NUM, LATENT), jnp.float32, -bound, bound)
    inp = {"x": x, "beta": 1, "arch": arch, "embedding": embedding}
    dims = [DNN_IN] + MLP_DIMS
    for i in range(len(MLP_DIMS)):
        b = float(np.sqrt(6.0 / (dims[i] + dims[i + 1])))
        inp[f"W{i+1}"] = jax.random.uniform(ks[3 + 2 * i], (dims[i], dims[i + 1]), jnp.float32, -b, b)
        inp[f"b{i+1}"] = jnp.zeros((dims[i + 1],), jnp.float32)
    bo = float(np.sqrt(6.0 / (dims[-1] + 1)))
    inp["Wo"] = jax.random.uniform(ks[10], (dims[-1], 1), jnp.float32, -bo, bo)
    inp["bo"] = jnp.zeros((1,), jnp.float32)
    return inp


def reference(x, beta, arch, embedding, W1, b1, W2, b2, W3, b3, Wo, bo):
    # calc_input: embedding lookup + arch-prob scaling
    prob = jax.nn.softmax(arch / beta, axis=0)  # [F]
    xv = jnp.take(embedding, x, axis=0)  # [B, F, D] gather
    xe = xv * prob[None, :, None]
    # calc_product: inner-product of all field pairs
    rows, cols = np.triu_indices(FIELD_NUM, k=1)
    p = xe[:, rows, :]  # [B, P, D]
    q = xe[:, cols, :]
    product = jnp.sum(p * q, axis=2)  # [B, P]
    flat = xe.reshape(xe.shape[0], EMBED_OUT)
    h = jnp.concatenate([flat, product], axis=1)
    # MLP (dropout is identity at inference)
    h = jax.nn.relu(h @ W1 + b1)
    h = jax.nn.relu(h @ W2 + b2)
    h = jax.nn.relu(h @ W3 + b3)
    score = h @ Wo + bo  # [B, 1]
    return jnp.squeeze(score, axis=1)

if __name__ == "__main__":
    import jax
    _d = setup_inputs()
    print(jax.jit(kernel)(*tuple(_d.values())))

</pallas_src>

<mosaic_0001>
#map = affine_map<(d0, d1) -> (0, 0)>
#map1 = affine_map<(d0, d1) -> (0)>
module attributes {stable_mosaic.version = 14 : i64} {
  func.func @_sc_gather_body(%arg0: i32, %arg1: i32, %arg2: memref<26000x64xf32, #tpu.memory_space<hbm>>, %arg3: memref<106496xi32, #tpu.memory_space<hbm>>, %arg4: memref<106496x64xf32, #tpu.memory_space<hbm>>, %arg5: memref<1664xi32, #tpu.memory_space<vmem>>, %arg6: memref<1664x64xf32, #tpu.memory_space<vmem>>, %arg7: memref<!tpu.dma_semaphore, #tpu.memory_space<semaphore_mem>>) attributes {dimension_semantics = [#tpu.dimension_semantics<core_parallel>, #tpu.dimension_semantics<subcore_parallel>], iteration_bounds = array<i64: 2, 16>, scalar_prefetch = 0 : i64, scratch_operands = 3 : i64, tpu.core_type = #tpu.core_type<sc_vector_subcore>, window_params = [{transform_indices = #map}, {transform_indices = #map1}, {transform_indices = #map}]} {
    %mul3A = arith.constant 2 : i32
    %mul3A_0 = arith.muli %arg1, %mul3A : i32
    %add3A = arith.addi %mul3A_0, %arg0 : i32
    %mul3A_1 = arith.constant 3328 : i32
    %mul3A_2 = arith.muli %add3A, %mul3A_1 : i32
    %add3A_3 = arith.constant 0 : i32
    %add3A_4 = arith.addi %mul3A_2, %add3A_3 : i32
    "tpu.region"() ({
      %run_scoped3A = tpu.sem_alloc : memref<!tpu.dma_semaphore, #tpu.memory_space<semaphore_mem>>
      %dma_start3A_17 = tpu.memref_slice %arg3[%add3A_4] : memref<106496xi32, #tpu.memory_space<hbm>> -> memref<1664xi32, #tpu.memory_space<hbm>>
      %dma_start3A_18 = tpu.memref_slice %arg3[%add3A_4] : memref<106496xi32, #tpu.memory_space<hbm>> -> memref<1664xi32, #tpu.memory_space<hbm>>
      tpu.enqueue_dma source(%dma_start3A_18 : memref<1664xi32, #tpu.memory_space<hbm>>) target(%arg5 : memref<1664xi32, #tpu.memory_space<vmem>>) target_semaphore(%run_scoped3A : memref<!tpu.dma_semaphore, #tpu.memory_space<semaphore_mem>>)
      %dma_wait3A_19 = tpu.memref_slice %arg3[%add3A_4] : memref<106496xi32, #tpu.memory_space<hbm>> -> memref<1664xi32, #tpu.memory_space<hbm>>
      %dma_wait3A_20 = tpu.memref_slice %arg3[%add3A_4] : memref<106496xi32, #tpu.memory_space<hbm>> -> memref<1664xi32, #tpu.memory_space<hbm>>
      tpu.wait_dma2 semaphore(%run_scoped3A : memref<!tpu.dma_semaphore, #tpu.memory_space<semaphore_mem>>) src(%dma_wait3A_20 : memref<1664xi32, #tpu.memory_space<hbm>>) dst(%arg5 : memref<1664xi32, #tpu.memory_space<vmem>>)
      tpu.yield
    }) : () -> ()
    %dma_start3A = arith.constant 0 : i32
    %dma_start3A_5 = arith.constant 0 : i32
    %dma_start3A_6 = tpu.memref_slice %arg2[%dma_start3A, %dma_start3A_5] : memref<26000x64xf32, #tpu.memory_space<hbm>> -> memref<26000x64xf32, #tpu.memory_space<hbm>>
    tpu.enqueue_indirect_dma source(%dma_start3A_6 : memref<26000x64xf32, #tpu.memory_space<hbm>>) target(%arg6 : memref<1664x64xf32, #tpu.memory_space<vmem>>) offsets(%arg5 : memref<1664xi32, #tpu.memory_space<vmem>>) semaphore(%arg7 : memref<!tpu.dma_semaphore, #tpu.memory_space<semaphore_mem>>)
    %dma_wait3A = arith.constant 0 : i32
    %dma_wait3A_7 = arith.constant 0 : i32
    %dma_wait3A_8 = tpu.memref_slice %arg2[%dma_wait3A, %dma_wait3A_7] : memref<26000x64xf32, #tpu.memory_space<hbm>> -> memref<26000x64xf32, #tpu.memory_space<hbm>>
    tpu.wait_indirect_dma semaphore(%arg7 : memref<!tpu.dma_semaphore, #tpu.memory_space<semaphore_mem>>) src(%dma_wait3A_8 : memref<26000x64xf32, #tpu.memory_space<hbm>>) dst(%arg6 : memref<1664x64xf32, #tpu.memory_space<vmem>>)
    "tpu.region"() ({
      %run_scoped3A = tpu.sem_alloc : memref<!tpu.dma_semaphore, #tpu.memory_space<semaphore_mem>>
      %dma_start3A_17 = arith.constant 0 : i32
      %dma_start3A_18 = tpu.memref_slice %arg4[%add3A_4, %dma_start3A_17] : memref<106496x64xf32, #tpu.memory_space<hbm>> -> memref<1664x64xf32, #tpu.memory_space<hbm>>
      %dma_start3A_19 = arith.constant 0 : i32
      %dma_start3A_20 = tpu.memref_slice %arg4[%add3A_4, %dma_start3A_19] : memref<106496x64xf32, #tpu.memory_space<hbm>> -> memref<1664x64xf32, #tpu.memory_space<hbm>>
      tpu.enqueue_dma source(%arg6 : memref<1664x64xf32, #tpu.memory_space<vmem>>) target(%dma_start3A_20 : memref<1664x64xf32, #tpu.memory_space<hbm>>) target_semaphore(%run_scoped3A : memref<!tpu.dma_semaphore, #tpu.memory_space<semaphore_mem>>)
      %dma_wait3A_21 = arith.constant 0 : i32
      %dma_wait3A_22 = tpu.memref_slice %arg4[%add3A_4, %dma_wait3A_21] : memref<106496x64xf32, #tpu.memory_space<hbm>> -> memref<1664x64xf32, #tpu.memory_space<hbm>>
      %dma_wait3A_23 = arith.constant 0 : i32
      %dma_wait3A_24 = tpu.memref_slice %arg4[%add3A_4, %dma_wait3A_23] : memref<106496x64xf32, #tpu.memory_space<hbm>> -> memref<1664x64xf32, #tpu.memory_space<hbm>>
      tpu.wait_dma2 semaphore(%run_scoped3A : memref<!tpu.dma_semaphore, #tpu.memory_space<semaphore_mem>>) src(%arg6 : memref<1664x64xf32, #tpu.memory_space<vmem>>) dst(%dma_wait3A_24 : memref<1664x64xf32, #tpu.memory_space<hbm>>)
      tpu.yield
    }) : () -> ()
    %add3A_9 = arith.constant 1664 : i32
    %add3A_10 = arith.addi %mul3A_2, %add3A_9 : i32
    "tpu.region"() ({
      %run_scoped3A = tpu.sem_alloc : memref<!tpu.dma_semaphore, #tpu.memory_space<semaphore_mem>>
      %dma_start3A_17 = tpu.memref_slice %arg3[%add3A_10] : memref<106496xi32, #tpu.memory_space<hbm>> -> memref<1664xi32, #tpu.memory_space<hbm>>
      %dma_start3A_18 = tpu.memref_slice %arg3[%add3A_10] : memref<106496xi32, #tpu.memory_space<hbm>> -> memref<1664xi32, #tpu.memory_space<hbm>>
      tpu.enqueue_dma source(%dma_start3A_18 : memref<1664xi32, #tpu.memory_space<hbm>>) target(%arg5 : memref<1664xi32, #tpu.memory_space<vmem>>) target_semaphore(%run_scoped3A : memref<!tpu.dma_semaphore, #tpu.memory_space<semaphore_mem>>)
      %dma_wait3A_19 = tpu.memref_slice %arg3[%add3A_10] : memref<106496xi32, #tpu.memory_space<hbm>> -> memref<1664xi32, #tpu.memory_space<hbm>>
      %dma_wait3A_20 = tpu.memref_slice %arg3[%add3A_10] : memref<106496xi32, #tpu.memory_space<hbm>> -> memref<1664xi32, #tpu.memory_space<hbm>>
      tpu.wait_dma2 semaphore(%run_scoped3A : memref<!tpu.dma_semaphore, #tpu.memory_space<semaphore_mem>>) src(%dma_wait3A_20 : memref<1664xi32, #tpu.memory_space<hbm>>) dst(%arg5 : memref<1664xi32, #tpu.memory_space<vmem>>)
      tpu.yield
    }) : () -> ()
    %dma_start3A_11 = arith.constant 0 : i32
    %dma_start3A_12 = arith.constant 0 : i32
    %dma_start3A_13 = tpu.memref_slice %arg2[%dma_start3A_11, %dma_start3A_12] : memref<26000x64xf32, #tpu.memory_space<hbm>> -> memref<26000x64xf32, #tpu.memory_space<hbm>>
    tpu.enqueue_indirect_dma source(%dma_start3A_13 : memref<26000x64xf32, #tpu.memory_space<hbm>>) target(%arg6 : memref<1664x64xf32, #tpu.memory_space<vmem>>) offsets(%arg5 : memref<1664xi32, #tpu.memory_space<vmem>>) semaphore(%arg7 : memref<!tpu.dma_semaphore, #tpu.memory_space<semaphore_mem>>)
    %dma_wait3A_14 = arith.constant 0 : i32
    %dma_wait3A_15 = arith.constant 0 : i32
    %dma_wait3A_16 = tpu.memref_slice %arg2[%dma_wait3A_14, %dma_wait3A_15] : memref<26000x64xf32, #tpu.memory_space<hbm>> -> memref<26000x64xf32, #tpu.memory_space<hbm>>
    tpu.wait_indirect_dma semaphore(%arg7 : memref<!tpu.dma_semaphore, #tpu.memory_space<semaphore_mem>>) src(%dma_wait3A_16 : memref<26000x64xf32, #tpu.memory_space<hbm>>) dst(%arg6 : memref<1664x64xf32, #tpu.memory_space<vmem>>)
    "tpu.region"() ({
      %run_scoped3A = tpu.sem_alloc : memref<!tpu.dma_semaphore, #tpu.memory_space<semaphore_mem>>
      %dma_start3A_17 = arith.constant 0 : i32
      %dma_start3A_18 = tpu.memref_slice %arg4[%add3A_10, %dma_start3A_17] : memref<106496x64xf32, #tpu.memory_space<hbm>> -> memref<1664x64xf32, #tpu.memory_space<hbm>>
      %dma_start3A_19 = arith.constant 0 : i32
      %dma_start3A_20 = tpu.memref_slice %arg4[%add3A_10, %dma_start3A_19] : memref<106496x64xf32, #tpu.memory_space<hbm>> -> memref<1664x64xf32, #tpu.memory_space<hbm>>
      tpu.enqueue_dma source(%arg6 : memref<1664x64xf32, #tpu.memory_space<vmem>>) target(%dma_start3A_20 : memref<1664x64xf32, #tpu.memory_space<hbm>>) target_semaphore(%run_scoped3A : memref<!tpu.dma_semaphore, #tpu.memory_space<semaphore_mem>>)
      %dma_wait3A_21 = arith.constant 0 : i32
      %dma_wait3A_22 = tpu.memref_slice %arg4[%add3A_10, %dma_wait3A_21] : memref<106496x64xf32, #tpu.memory_space<hbm>> -> memref<1664x64xf32, #tpu.memory_space<hbm>>
      %dma_wait3A_23 = arith.constant 0 : i32
      %dma_wait3A_24 = tpu.memref_slice %arg4[%add3A_10, %dma_wait3A_23] : memref<106496x64xf32, #tpu.memory_space<hbm>> -> memref<1664x64xf32, #tpu.memory_space<hbm>>
      tpu.wait_dma2 semaphore(%run_scoped3A : memref<!tpu.dma_semaphore, #tpu.memory_space<semaphore_mem>>) src(%arg6 : memref<1664x64xf32, #tpu.memory_space<vmem>>) dst(%dma_wait3A_24 : memref<1664x64xf32, #tpu.memory_space<hbm>>)
      tpu.yield
    }) : () -> ()
    return
  }
}

module attributes {stable_mosaic.version = 14 : i64} {
  func.func @_tc_body(%arg0: i32, %arg1: memref<256x1664xf32, #tpu.memory_space<vmem>>, %arg2: memref<1664x32xf32, #tpu.memory_space<vmem>>, %arg3: memref<1664x1024xbf16, #tpu.memory_space<vmem>>, %arg4: memref<384x1024xbf16, #tpu.memory_space<vmem>>, %arg5: memref<1x1024xf32, #tpu.memory_space<vmem>>, %arg6: memref<1024x512xbf16, #tpu.memory_space<vmem>>, %arg7: memref<1x512xf32, #tpu.memory_space<vmem>>, %arg8: memref<512x256xbf16, #tpu.memory_space<vmem>>, %arg9: memref<1x256xf32, #tpu.memory_space<vmem>>, %arg10: memref<256x1xbf16, #tpu.memory_space<vmem>>, %arg11: memref<1x1xf32, #tpu.memory_space<vmem>>, %arg12: memref<256x1xf32, #tpu.memory_space<vmem>>) attributes {dimension_semantics = [#tpu.dimension_semantics<parallel>], iteration_bounds = array<i64: 16>, scalar_prefetch = 0 : i64, scratch_operands = 0 : i64, tpu.core_type = #tpu.core_type<tc>, window_params = [{transform_indices = @transform_0, window_bounds = array<i64: 256, 1664>}, {pipeline_mode = #tpu.pipeline_mode<synchronous>, transform_indices = @transform_1, window_bounds = array<i64: 1664, 32>}, {pipeline_mode = #tpu.pipeline_mode<synchronous>, transform_indices = @transform_2, window_bounds = array<i64: 1664, 1024>}, {pipeline_mode = #tpu.pipeline_mode<synchronous>, transform_indices = @transform_3, window_bounds = array<i64: 384, 1024>}, {pipeline_mode = #tpu.pipeline_mode<synchronous>, transform_indices = @transform_4, window_bounds = array<i64: 1, 1024>}, {pipeline_mode = #tpu.pipeline_mode<synchronous>, transform_indices = @transform_5, window_bounds = array<i64: 1024, 512>}, {pipeline_mode = #tpu.pipeline_mode<synchronous>, transform_indices = @transform_6, window_bounds = array<i64: 1, 512>}, {pipeline_mode = #tpu.pipeline_mode<synchronous>, transform_indices = @transform_7, window_bounds = array<i64: 512, 256>}, {pipeline_mode = #tpu.pipeline_mode<synchronous>, transform_indices = @transform_8, window_bounds = array<i64: 1, 256>}, {pipeline_mode = #tpu.pipeline_mode<synchronous>, transform_indices = @transform_9, window_bounds = array<i64: 256, 1>}, {pipeline_mode = #tpu.pipeline_mode<synchronous>, transform_indices = @transform_10, window_bounds = array<i64: 1, 1>}, {transform_indices = @transform_11, window_bounds = array<i64: 256, 1>}]} {
    %get3A = arith.constant 0 : index
    %get3A_0 = arith.constant 0 : index
    %get3A_1 = vector.load %arg1[%get3A, %get3A_0] : memref<256x1664xf32, #tpu.memory_space<vmem>>, vector<256x1664xf32>
    %convert_element_type3A = arith.truncf %get3A_1 : vector<256x1664xf32> to vector<256x1664xbf16>
    %get3A_2 = arith.constant 0 : index
    %get3A_3 = arith.constant 0 : index
    %get3A_4 = vector.load %arg3[%get3A_2, %get3A_3] : memref<1664x1024xbf16, #tpu.memory_space<vmem>>, vector<1664x1024xbf16>
    %dot_general3A = arith.constant dense<0.000000e+00> : vector<256x1024xf32>
    %dot_general3A_5 = tpu.matmul %convert_element_type3A, %get3A_4, %dot_general3A {dimension_numbers = #tpu.dot_dimension_numbers<[1], [0], [0], [1], [0, 0, 1, 1], [], []>, transpose_lhs_hint = false} : vector<256x1664xbf16>, vector<1664x1024xbf16>, vector<256x1024xf32> -> vector<256x1024xf32>
    %slice3A = vector.extract_strided_slice %get3A_1 {offsets = [0, 0], sizes = [256, 1600], strides = [1, 1]} : vector<256x1664xf32> to vector<256x1600xf32>
    %slice3A_6 = vector.extract_strided_slice %get3A_1 {offsets = [0, 64], sizes = [256, 1600], strides = [1, 1]} : vector<256x1664xf32> to vector<256x1600xf32>
    %mul3A = arith.mulf %slice3A, %slice3A_6 : vector<256x1600xf32>
    %get3A_7 = arith.constant 0 : index
    %get3A_8 = arith.constant 0 : index
    %get3A_9 = vector.load %arg2[%get3A_7, %get3A_8] : memref<1664x32xf32, #tpu.memory_space<vmem>>, vector<1600x32xf32>
    %dot_general3A_10 = arith.constant dense<0.000000e+00> : vector<256x32xf32>
    %dot_general3A_11 = tpu.matmul %mul3A, %get3A_9, %dot_general3A_10 {dimension_numbers = #tpu.dot_dimension_numbers<[1], [0], [0], [1], [0, 0, 1, 1], [], []>, transpose_lhs_hint = false} : vector<256x1600xf32>, vector<1600x32xf32>, vector<256x32xf32> -> vector<256x32xf32>
    %slice3A_12 = vector.extract_strided_slice %dot_general3A_11 {offsets = [0, 0], sizes = [256, 25], strides = [1, 1]} : vector<256x32xf32> to vector<256x25xf32>
    %slice3A_13 = vector.extract_strided_slice %get3A_1 {offsets = [0, 0], sizes = [256, 1536], strides = [1, 1]} : vector<256x1664xf32> to vector<256x1536xf32>
    %slice3A_14 = vector.extract_strided_slice %get3A_1 {offsets = [0, 128], sizes = [256, 1536], strides = [1, 1]} : vector<256x1664xf32> to vector<256x1536xf32>
    %mul3A_15 = arith.mulf %slice3A_13, %slice3A_14 : vector<256x1536xf32>
    %get3A_16 = arith.constant 0 : index
    %get3A_17 = arith.constant 0 : index
    %get3A_18 = vector.load %arg2[%get3A_16, %get3A_17] : memref<1664x32xf32, #tpu.memory_space<vmem>>, vector<1536x32xf32>
    %dot_general3A_19 = arith.constant dense<0.000000e+00> : vector<256x32xf32>
    %dot_general3A_20 = tpu.matmul %mul3A_15, %get3A_18, %dot_general3A_19 {dimension_numbers = #tpu.dot_dimension_numbers<[1], [0], [0], [1], [0, 0, 1, 1], [], []>, transpose_lhs_hint = false} : vector<256x1536xf32>, vector<1536x32xf32>, vector<256x32xf32> -> vector<256x32xf32>
    %slice3A_21 = vector.extract_strided_slice %dot_general3A_20 {offsets = [0, 0], sizes = [256, 24], strides = [1, 1]} : vector<256x32xf32> to vector<256x24xf32>
    %slice3A_22 = vector.extract_strided_slice %get3A_1 {offsets = [0, 0], sizes = [256, 1472], strides = [1, 1]} : vector<256x1664xf32> to vector<256x1472xf32>
    %slice3A_23 = vector.extract_strided_slice %get3A_1 {offsets = [0, 192], sizes = [256, 1472], strides = [1, 1]} : vector<256x1664xf32> to vector<256x1472xf32>
    %mul3A_24 = arith.mulf %slice3A_22, %slice3A_23 : vector<256x1472xf32>
    %get3A_25 = arith.constant 0 : index
    %get3A_26 = arith.constant 0 : index
    %get3A_27 = vector.load %arg2[%get3A_25, %get3A_26] : memref<1664x32xf32, #tpu.memory_space<vmem>>, vector<1472x32xf32>
    %dot_general3A_28 = arith.constant dense<0.000000e+00> : vector<256x32xf32>
    %dot_general3A_29 = tpu.matmul %mul3A_24, %get3A_27, %dot_general3A_28 {dimension_numbers = #tpu.dot_dimension_numbers<[1], [0], [0], [1], [0, 0, 1, 1], [], []>, transpose_lhs_hint = false} : vector<256x1472xf32>, vector<1472x32xf32>, vector<256x32xf32> -> vector<256x32xf32>
    %slice3A_30 = vector.extract_strided_slice %dot_general3A_29 {offsets = [0, 0], sizes = [256, 23], strides = [1, 1]} : vector<256x32xf32> to vector<256x23xf32>
    %slice3A_31 = vector.extract_strided_slice %get3A_1 {offsets = [0, 0], sizes = [256, 1408], strides = [1, 1]} : vector<256x1664xf32> to vector<256x1408xf32>
    %slice3A_32 = vector.extract_strided_slice %get3A_1 {offsets = [0, 256], sizes = [256, 1408], strides = [1, 1]} : vector<256x1664xf32> to vector<256x1408xf32>
    %mul3A_33 = arith.mulf %slice3A_31, %slice3A_32 : vector<256x1408xf32>
    %get3A_34 = arith.constant 0 : index
    %get3A_35 = arith.constant 0 : index
    %get3A_36 = vector.load %arg2[%get3A_34, %get3A_35] : memref<1664x32xf32, #tpu.memory_space<vmem>>, vector<1408x32xf32>
    %dot_general3A_37 = arith.constant dense<0.000000e+00> : vector<256x32xf32>
    %dot_general3A_38 = tpu.matmul %mul3A_33, %get3A_36, %dot_general3A_37 {dimension_numbers = #tpu.dot_dimension_numbers<[1], [0], [0], [1], [0, 0, 1, 1], [], []>, transpose_lhs_hint = false} : vector<256x1408xf32>, vector<1408x32xf32>, vector<256x32xf32> -> vector<256x32xf32>
    %slice3A_39 = vector.extract_strided_slice %dot_general3A_38 {offsets = [0, 0], sizes = [256, 22], strides = [1, 1]} : vector<256x32xf32> to vector<256x22xf32>
    %slice3A_40 = vector.extract_strided_slice %get3A_1 {offsets = [0, 0], sizes = [256, 1344], strides = [1, 1]} : vector<256x1664xf32> to vector<256x1344xf32>
    %slice3A_41 = vector.extract_strided_slice %get3A_1 {offsets = [0, 320], sizes = [256, 1344], strides = [1, 1]} : vector<256x1664xf32> to vector<256x1344xf32>
    %mul3A_42 = arith.mulf %slice3A_40, %slice3A_41 : vector<256x1344xf32>
    %get3A_43 = arith.constant 0 : index
    %get3A_44 = arith.constant 0 : index
    %get3A_45 = vector.load %arg2[%get3A_43, %get3A_44] : memref<1664x32xf32, #tpu.memory_space<vmem>>, vector<1344x32xf32>
    %dot_general3A_46 = arith.constant dense<0.000000e+00> : vector<256x32xf32>
    %dot_general3A_47 = tpu.matmul %mul3A_42, %get3A_45, %dot_general3A_46 {dimension_numbers = #tpu.dot_dimension_numbers<[1], [0], [0], [1], [0, 0, 1, 1], [], []>, transpose_lhs_hint = false} : vector<256x1344xf32>, vector<1344x32xf32>, vector<256x32xf32> -> vector<256x32xf32>
    %slice3A_48 = vector.extract_strided_slice %dot_general3A_47 {offsets = [0, 0], sizes = [256, 21], strides = [1, 1]} : vector<256x32xf32> to vector<256x21xf32>
    %slice3A_49 = vector.extract_strided_slice %get3A_1 {offsets = [0, 0], sizes = [256, 1280], strides = [1, 1]} : vector<256x1664xf32> to vector<256x1280xf32>
    %slice3A_50 = vector.extract_strided_slice %get3A_1 {offsets = [0, 384], sizes = [256, 1280], strides = [1, 1]} : vector<256x1664xf32> to vector<256x1280xf32>
    %mul3A_51 = arith.mulf %slice3A_49, %slice3A_50 : vector<256x1280xf32>
    %get3A_52 = arith.constant 0 : index
    %get3A_53 = arith.constant 0 : index
    %get3A_54 = vector.load %arg2[%get3A_52, %get3A_53] : memref<1664x32xf32, #tpu.memory_space<vmem>>, vector<1280x32xf32>
    %dot_general3A_55 = arith.constant dense<0.000000e+00> : vector<256x32xf32>
    %dot_general3A_56 = tpu.matmul %mul3A_51, %get3A_54, %dot_general3A_55 {dimension_numbers = #tpu.dot_dimension_numbers<[1], [0], [0], [1], [0, 0, 1, 1], [], []>, transpose_lhs_hint = false} : vector<256x1280xf32>, vector<1280x32xf32>, vector<256x32xf32> -> vector<256x32xf32>
    %slice3A_57 = vector.extract_strided_slice %dot_general3A_56 {offsets = [0, 0], sizes = [256, 20], strides = [1, 1]} : vector<256x32xf32> to vector<256x20xf32>
    %slice3A_58 = vector.extract_strided_slice %get3A_1 {offsets = [0, 0], sizes = [256, 1216], strides = [1, 1]} : vector<256x1664xf32> to vector<256x1216xf32>
    %slice3A_59 = vector.extract_strided_slice %get3A_1 {offsets = [0, 448], sizes = [256, 1216], strides = [1, 1]} : vector<256x1664xf32> to vector<256x1216xf32>
    %mul3A_60 = arith.mulf %slice3A_58, %slice3A_59 : vector<256x1216xf32>
    %get3A_61 = arith.constant 0 : index
    %get3A_62 = arith.constant 0 : index
    %get3A_63 = vector.load %arg2[%get3A_61, %get3A_62] : memref<1664x32xf32, #tpu.memory_space<vmem>>, vector<1216x32xf32>
    %dot_general3A_64 = arith.constant dense<0.000000e+00> : vector<256x32xf32>
    %dot_general3A_65 = tpu.matmul %mul3A_60, %get3A_63, %dot_general3A_64 {dimension_numbers = #tpu.dot_dimension_numbers<[1], [0], [0], [1], [0, 0, 1, 1], [], []>, transpose_lhs_hint = false} : vector<256x1216xf32>, vector<1216x32xf32>, vector<256x32xf32> -> vector<256x32xf32>
    %slice3A_66 = vector.extract_strided_slice %dot_general3A_65 {offsets = [0, 0], sizes = [256, 19], strides = [1, 1]} : vector<256x32xf32> to vector<256x19xf32>
    %slice3A_67 = vector.extract_strided_slice %get3A_1 {offsets = [0, 0], sizes = [256, 1152], strides = [1, 1]} : vector<256x1664xf32> to vector<256x1152xf32>
    %slice3A_68 = vector.extract_strided_slice %get3A_1 {offsets = [0, 512], sizes = [256, 1152], strides = [1, 1]} : vector<256x1664xf32> to vector<256x1152xf32>
    %mul3A_69 = arith.mulf %slice3A_67, %slice3A_68 : vector<256x1152xf32>
    %get3A_70 = arith.constant 0 : index
    %get3A_71 = arith.constant 0 : index
    %get3A_72 = vector.load %arg2[%get3A_70, %get3A_71] : memref<1664x32xf32, #tpu.memory_space<vmem>>, vector<1152x32xf32>
    %dot_general3A_73 = arith.constant dense<0.000000e+00> : vector<256x32xf32>
    %dot_general3A_74 = tpu.matmul %mul3A_69, %get3A_72, %dot_general3A_73 {dimension_numbers = #tpu.dot_dimension_numbers<[1], [0], [0], [1], [0, 0, 1, 1], [], []>, transpose_lhs_hint = false} : vector<256x1152xf32>, vector<1152x32xf32>, vector<256x32xf32> -> vector<256x32xf32>
    %slice3A_75 = vector.extract_strided_slice %dot_general3A_74 {offsets = [0, 0], sizes = [256, 18], strides = [1, 1]} : vector<256x32xf32> to vector<256x18xf32>
    %slice3A_76 = vector.extract_strided_slice %get3A_1 {offsets = [0, 0], sizes = [256, 1088], strides = [1, 1]} : vector<256x1664xf32> to vector<256x1088xf32>
    %slice3A_77 = vector.extract_strided_slice %get3A_1 {offsets = [0, 576], sizes = [256, 1088], strides = [1, 1]} : vector<256x1664xf32> to vector<256x1088xf32>
    %mul3A_78 = arith.mulf %slice3A_76, %slice3A_77 : vector<256x1088xf32>
    %get3A_79 = arith.constant 0 : index
    %get3A_80 = arith.constant 0 : index
    %get3A_81 = vector.load %arg2[%get3A_79, %get3A_80] : memref<1664x32xf32, #tpu.memory_space<vmem>>, vector<1088x32xf32>
    %dot_general3A_82 = arith.constant dense<0.000000e+00> : vector<256x32xf32>
    %dot_general3A_83 = tpu.matmul %mul3A_78, %get3A_81, %dot_general3A_82 {dimension_numbers = #tpu.dot_dimension_numbers<[1], [0], [0], [1], [0, 0, 1, 1], [], []>, transpose_lhs_hint = false} : vector<256x1088xf32>, vector<1088x32xf32>, vector<256x32xf32> -> vector<256x32xf32>
    %slice3A_84 = vector.extract_strided_slice %dot_general3A_83 {offsets = [0, 0], sizes = [256, 17], strides = [1, 1]} : vector<256x32xf32> to vector<256x17xf32>
    %slice3A_85 = vector.extract_strided_slice %get3A_1 {offsets = [0, 0], sizes = [256, 1024], strides = [1, 1]} : vector<256x1664xf32> to vector<256x1024xf32>
    %slice3A_86 = vector.extract_strided_slice %get3A_1 {offsets = [0, 640], sizes = [256, 1024], strides = [1, 1]} : vector<256x1664xf32> to vector<256x1024xf32>
    %mul3A_87 = arith.mulf %slice3A_85, %slice3A_86 : vector<256x1024xf32>
    %get3A_88 = arith.constant 0 : index
    %get3A_89 = arith.constant 0 : index
    %get3A_90 = vector.load %arg2[%get3A_88, %get3A_89] : memref<1664x32xf32, #tpu.memory_space<vmem>>, vector<1024x32xf32>
    %dot_general3A_91 = arith.constant dense<0.000000e+00> : vector<256x32xf32>
    %dot_general3A_92 = tpu.matmul %mul3A_87, %get3A_90, %dot_general3A_91 {dimension_numbers = #tpu.dot_dimension_numbers<[1], [0], [0], [1], [0, 0, 1, 1], [], []>, transpose_lhs_hint = false} : vector<256x1024xf32>, vector<1024x32xf32>, vector<256x32xf32> -> vector<256x32xf32>
    %slice3A_93 = vector.extract_strided_slice %dot_general3A_92 {offsets = [0, 0], sizes = [256, 16], strides = [1, 1]} : vector<256x32xf32> to vector<256x16xf32>
    %slice3A_94 = vector.extract_strided_slice %get3A_1 {offsets = [0, 0], sizes = [256, 960], strides = [1, 1]} : vector<256x1664xf32> to vector<256x960xf32>
    %slice3A_95 = vector.extract_strided_slice %get3A_1 {offsets = [0, 704], sizes = [256, 960], strides = [1, 1]} : vector<256x1664xf32> to vector<256x960xf32>
    %mul3A_96 = arith.mulf %slice3A_94, %slice3A_95 : vector<256x960xf32>
    %get3A_97 = arith.constant 0 : index
    %get3A_98 = arith.constant 0 : index
    %get3A_99 = vector.load %arg2[%get3A_97, %get3A_98] : memref<1664x32xf32, #tpu.memory_space<vmem>>, vector<960x32xf32>
    %dot_general3A_100 = arith.constant dense<0.000000e+00> : vector<256x32xf32>
    %dot_general3A_101 = tpu.matmul %mul3A_96, %get3A_99, %dot_general3A_100 {dimension_numbers = #tpu.dot_dimension_numbers<[1], [0], [0], [1], [0, 0, 1, 1], [], []>, transpose_lhs_hint = false} : vector<256x960xf32>, vector<960x32xf32>, vector<256x32xf32> -> vector<256x32xf32>
    %slice3A_102 = vector.extract_strided_slice %dot_general3A_101 {offsets = [0, 0], sizes = [256, 15], strides = [1, 1]} : vector<256x32xf32> to vector<256x15xf32>
    %slice3A_103 = vector.extract_strided_slice %get3A_1 {offsets = [0, 0], sizes = [256, 896], strides = [1, 1]} : vector<256x1664xf32> to vector<256x896xf32>
    %slice3A_104 = vector.extract_strided_slice %get3A_1 {offsets = [0, 768], sizes = [256, 896], strides = [1, 1]} : vector<256x1664xf32> to vector<256x896xf32>
    %mul3A_105 = arith.mulf %slice3A_103, %slice3A_104 : vector<256x896xf32>
    %get3A_106 = arith.constant 0 : index
    %get3A_107 = arith.constant 0 : index
    %get3A_108 = vector.load %arg2[%get3A_106, %get3A_107] : memref<1664x32xf32, #tpu.memory_space<vmem>>, vector<896x32xf32>
    %dot_general3A_109 = arith.constant dense<0.000000e+00> : vector<256x32xf32>
    %dot_general3A_110 = tpu.matmul %mul3A_105, %get3A_108, %dot_general3A_109 {dimension_numbers = #tpu.dot_dimension_numbers<[1], [0], [0], [1], [0, 0, 1, 1], [], []>, transpose_lhs_hint = false} : vector<256x896xf32>, vector<896x32xf32>, vector<256x32xf32> -> vector<256x32xf32>
    %slice3A_111 = vector.extract_strided_slice %dot_general3A_110 {offsets = [0, 0], sizes = [256, 14], strides = [1, 1]} : vector<256x32xf32> to vector<256x14xf32>
    %slice3A_112 = vector.extract_strided_slice %get3A_1 {offsets = [0, 0], sizes = [256, 832], strides = [1, 1]} : vector<256x1664xf32> to vector<256x832xf32>
    %slice3A_113 = vector.extract_strided_slice %get3A_1 {offsets = [0, 832], sizes = [256, 832], strides = [1, 1]} : vector<256x1664xf32> to vector<256x832xf32>
    %mul3A_114 = arith.mulf %slice3A_112, %slice3A_113 : vector<256x832xf32>
    %get3A_115 = arith.constant 0 : index
    %get3A_116 = arith.constant 0 : index
    %get3A_117 = vector.load %arg2[%get3A_115, %get3A_116] : memref<1664x32xf32, #tpu.memory_space<vmem>>, vector<832x32xf32>
    %dot_general3A_118 = arith.constant dense<0.000000e+00> : vector<256x32xf32>
    %dot_general3A_119 = tpu.matmul %mul3A_114, %get3A_117, %dot_general3A_118 {dimension_numbers = #tpu.dot_dimension_numbers<[1], [0], [0], [1], [0, 0, 1, 1], [], []>, transpose_lhs_hint = false} : vector<256x832xf32>, vector<832x32xf32>, vector<256x32xf32> -> vector<256x32xf32>
    %slice3A_120 = vector.extract_strided_slice %dot_general3A_119 {offsets = [0, 0], sizes = [256, 13], strides = [1, 1]} : vector<256x32xf32> to vector<256x13xf32>
    %slice3A_121 = vector.extract_strided_slice %get3A_1 {offsets = [0, 0], sizes = [256, 768], strides = [1, 1]} : vector<256x1664xf32> to vector<256x768xf32>
    %slice3A_122 = vector.extract_strided_slice %get3A_1 {offsets = [0, 896], sizes = [256, 768], strides = [1, 1]} : vector<256x1664xf32> to vector<256x768xf32>
    %mul3A_123 = arith.mulf %slice3A_121, %slice3A_122 : vector<256x768xf32>
    %get3A_124 = arith.constant 0 : index
    %get3A_125 = arith.constant 0 : index
    %get3A_126 = vector.load %arg2[%get3A_124, %get3A_125] : memref<1664x32xf32, #tpu.memory_space<vmem>>, vector<768x32xf32>
    %dot_general3A_127 = arith.constant dense<0.000000e+00> : vector<256x32xf32>
    %dot_general3A_128 = tpu.matmul %mul3A_123, %get3A_126, %dot_general3A_127 {dimension_numbers = #tpu.dot_dimension_numbers<[1], [0], [0], [1], [0, 0, 1, 1], [], []>, transpose_lhs_hint = false} : vector<256x768xf32>, vector<768x32xf32>, vector<256x32xf32> -> vector<256x32xf32>
    %slice3A_129 = vector.extract_strided_slice %dot_general3A_128 {offsets = [0, 0], sizes = [256, 12], strides = [1, 1]} : vector<256x32xf32> to vector<256x12xf32>
    %slice3A_130 = vector.extract_strided_slice %get3A_1 {offsets = [0, 0], sizes = [256, 704], strides = [1, 1]} : vector<256x1664xf32> to vector<256x704xf32>
    %slice3A_131 = vector.extract_strided_slice %get3A_1 {offsets = [0, 960], sizes = [256, 704], strides = [1, 1]} : vector<256x1664xf32> to vector<256x704xf32>
    %mul3A_132 = arith.mulf %slice3A_130, %slice3A_131 : vector<256x704xf32>
    %get3A_133 = arith.constant 0 : index
    %get3A_134 = arith.constant 0 : index
    %get3A_135 = vector.load %arg2[%get3A_133, %get3A_134] : memref<1664x32xf32, #tpu.memory_space<vmem>>, vector<704x32xf32>
    %dot_general3A_136 = arith.constant dense<0.000000e+00> : vector<256x32xf32>
    %dot_general3A_137 = tpu.matmul %mul3A_132, %get3A_135, %dot_general3A_136 {dimension_numbers = #tpu.dot_dimension_numbers<[1], [0], [0], [1], [0, 0, 1, 1], [], []>, transpose_lhs_hint = false} : vector<256x704xf32>, vector<704x32xf32>, vector<256x32xf32> -> vector<256x32xf32>
    %slice3A_138 = vector.extract_strided_slice %dot_general3A_137 {offsets = [0, 0], sizes = [256, 11], strides = [1, 1]} : vector<256x32xf32> to vector<256x11xf32>
    %slice3A_139 = vector.extract_strided_slice %get3A_1 {offsets = [0, 0], sizes = [256, 640], strides = [1, 1]} : vector<256x1664xf32> to vector<256x640xf32>
    %slice3A_140 = vector.extract_strided_slice %get3A_1 {offsets = [0, 1024], sizes = [256, 640], strides = [1, 1]} : vector<256x1664xf32> to vector<256x640xf32>
    %mul3A_141 = arith.mulf %slice3A_139, %slice3A_140 : vector<256x640xf32>
    %get3A_142 = arith.constant 0 : index
    %get3A_143 = arith.constant 0 : index
    %get3A_144 = vector.load %arg2[%get3A_142, %get3A_143] : memref<1664x32xf32, #tpu.memory_space<vmem>>, vector<640x32xf32>
    %dot_general3A_145 = arith.constant dense<0.000000e+00> : vector<256x32xf32>
    %dot_general3A_146 = tpu.matmul %mul3A_141, %get3A_144, %dot_general3A_145 {dimension_numbers = #tpu.dot_dimension_numbers<[1], [0], [0], [1], [0, 0, 1, 1], [], []>, transpose_lhs_hint = false} : vector<256x640xf32>, vector<640x32xf32>, vector<256x32xf32> -> vector<256x32xf32>
    %slice3A_147 = vector.extract_strided_slice %dot_general3A_146 {offsets = [0, 0], sizes = [256, 10], strides = [1, 1]} : vector<256x32xf32> to vector<256x10xf32>
    %slice3A_148 = vector.extract_strided_slice %get3A_1 {offsets = [0, 0], sizes = [256, 576], strides = [1, 1]} : vector<256x1664xf32> to vector<256x576xf32>
    %slice3A_149 = vector.extract_strided_slice %get3A_1 {offsets = [0, 1088], sizes = [256, 576], strides = [1, 1]} : vector<256x1664xf32> to vector<256x576xf32>
    %mul3A_150 = arith.mulf %slice3A_148, %slice3A_149 : vector<256x576xf32>
    %get3A_151 = arith.constant 0 : index
    %get3A_152 = arith.constant 0 : index
    %get3A_153 = vector.load %arg2[%get3A_151, %get3A_152] : memref<1664x32xf32, #tpu.memory_space<vmem>>, vector<576x32xf32>
    %dot_general3A_154 = arith.constant dense<0.000000e+00> : vector<256x32xf32>
    %dot_general3A_155 = tpu.matmul %mul3A_150, %get3A_153, %dot_general3A_154 {dimension_numbers = #tpu.dot_dimension_numbers<[1], [0], [0], [1], [0, 0, 1, 1], [], []>, transpose_lhs_hint = false} : vector<256x576xf32>, vector<576x32xf32>, vector<256x32xf32> -> vector<256x32xf32>
    %slice3A_156 = vector.extract_strided_slice %dot_general3A_155 {offsets = [0, 0], sizes = [256, 9], strides = [1, 1]} : vector<256x32xf32> to vector<256x9xf32>
    %slice3A_157 = vector.extract_strided_slice %get3A_1 {offsets = [0, 0], sizes = [256, 512], strides = [1, 1]} : vector<256x1664xf32> to vector<256x512xf32>
    %slice3A_158 = vector.extract_strided_slice %get3A_1 {offsets = [0, 1152], sizes = [256, 512], strides = [1, 1]} : vector<256x1664xf32> to vector<256x512xf32>
    %mul3A_159 = arith.mulf %slice3A_157, %slice3A_158 : vector<256x512xf32>
    %get3A_160 = arith.constant 0 : index
    %get3A_161 = arith.constant 0 : index
    %get3A_162 = vector.load %arg2[%get3A_160, %get3A_161] : memref<1664x32xf32, #tpu.memory_space<vmem>>, vector<512x32xf32>
    %dot_general3A_163 = arith.constant dense<0.000000e+00> : vector<256x32xf32>
    %dot_general3A_164 = tpu.matmul %mul3A_159, %get3A_162, %dot_general3A_163 {dimension_numbers = #tpu.dot_dimension_numbers<[1], [0], [0], [1], [0, 0, 1, 1], [], []>, transpose_lhs_hint = false} : vector<256x512xf32>, vector<512x32xf32>, vector<256x32xf32> -> vector<256x32xf32>
    %slice3A_165 = vector.extract_strided_slice %dot_general3A_164 {offsets = [0, 0], sizes = [256, 8], strides = [1, 1]} : vector<256x32xf32> to vector<256x8xf32>
    %slice3A_166 = vector.extract_strided_slice %get3A_1 {offsets = [0, 0], sizes = [256, 448], strides = [1, 1]} : vector<256x1664xf32> to vector<256x448xf32>
    %slice3A_167 = vector.extract_strided_slice %get3A_1 {offsets = [0, 1216], sizes = [256, 448], strides = [1, 1]} : vector<256x1664xf32> to vector<256x448xf32>
    %mul3A_168 = arith.mulf %slice3A_166, %slice3A_167 : vector<256x448xf32>
    %get3A_169 = arith.constant 0 : index
    %get3A_170 = arith.constant 0 : index
    %get3A_171 = vector.load %arg2[%get3A_169, %get3A_170] : memref<1664x32xf32, #tpu.memory_space<vmem>>, vector<448x32xf32>
    %dot_general3A_172 = arith.constant dense<0.000000e+00> : vector<256x32xf32>
    %dot_general3A_173 = tpu.matmul %mul3A_168, %get3A_171, %dot_general3A_172 {dimension_numbers = #tpu.dot_dimension_numbers<[1], [0], [0], [1], [0, 0, 1, 1], [], []>, transpose_lhs_hint = false} : vector<256x448xf32>, vector<448x32xf32>, vector<256x32xf32> -> vector<256x32xf32>
    %slice3A_174 = vector.extract_strided_slice %dot_general3A_173 {offsets = [0, 0], sizes = [256, 7], strides = [1, 1]} : vector<256x32xf32> to vector<256x7xf32>
    %slice3A_175 = vector.extract_strided_slice %get3A_1 {offsets = [0, 0], sizes = [256, 384], strides = [1, 1]} : vector<256x1664xf32> to vector<256x384xf32>
    %slice3A_176 = vector.extract_strided_slice %get3A_1 {offsets = [0, 1280], sizes = [256, 384], strides = [1, 1]} : vector<256x1664xf32> to vector<256x384xf32>
    %mul3A_177 = arith.mulf %slice3A_175, %slice3A_176 : vector<256x384xf32>
    %get3A_178 = arith.constant 0 : index
    %get3A_179 = arith.constant 0 : index
    %get3A_180 = vector.load %arg2[%get3A_178, %get3A_179] : memref<1664x32xf32, #tpu.memory_space<vmem>>, vector<384x32xf32>
    %dot_general3A_181 = arith.constant dense<0.000000e+00> : vector<256x32xf32>
    %dot_general3A_182 = tpu.matmul %mul3A_177, %get3A_180, %dot_general3A_181 {dimension_numbers = #tpu.dot_dimension_numbers<[1], [0], [0], [1], [0, 0, 1, 1], [], []>, transpose_lhs_hint = false} : vector<256x384xf32>, vector<384x32xf32>, vector<256x32xf32> -> vector<256x32xf32>
    %slice3A_183 = vector.extract_strided_slice %dot_general3A_182 {offsets = [0, 0], sizes = [256, 6], strides = [1, 1]} : vector<256x32xf32> to vector<256x6xf32>
    %slice3A_184 = vector.extract_strided_slice %get3A_1 {offsets = [0, 0], sizes = [256, 320], strides = [1, 1]} : vector<256x1664xf32> to vector<256x320xf32>
    %slice3A_185 = vector.extract_strided_slice %get3A_1 {offsets = [0, 1344], sizes = [256, 320], strides = [1, 1]} : vector<256x1664xf32> to vector<256x320xf32>
    %mul3A_186 = arith.mulf %slice3A_184, %slice3A_185 : vector<256x320xf32>
    %get3A_187 = arith.constant 0 : index
    %get3A_188 = arith.constant 0 : index
    %get3A_189 = vector.load %arg2[%get3A_187, %get3A_188] : memref<1664x32xf32, #tpu.memory_space<vmem>>, vector<320x32xf32>
    %dot_general3A_190 = arith.constant dense<0.000000e+00> : vector<256x32xf32>
    %dot_general3A_191 = tpu.matmul %mul3A_186, %get3A_189, %dot_general3A_190 {dimension_numbers = #tpu.dot_dimension_numbers<[1], [0], [0], [1], [0, 0, 1, 1], [], []>, transpose_lhs_hint = false} : vector<256x320xf32>, vector<320x32xf32>, vector<256x32xf32> -> vector<256x32xf32>
    %slice3A_192 = vector.extract_strided_slice %dot_general3A_191 {offsets = [0, 0], sizes = [256, 5], strides = [1, 1]} : vector<256x32xf32> to vector<256x5xf32>
    %slice3A_193 = vector.extract_strided_slice %get3A_1 {offsets = [0, 0], sizes = [256, 256], strides = [1, 1]} : vector<256x1664xf32> to vector<256x256xf32>
    %slice3A_194 = vector.extract_strided_slice %get3A_1 {offsets = [0, 1408], sizes = [256, 256], strides = [1, 1]} : vector<256x1664xf32> to vector<256x256xf32>
    %mul3A_195 = arith.mulf %slice3A_193, %slice3A_194 : vector<256x256xf32>
    %get3A_196 = arith.constant 0 : index
    %get3A_197 = arith.constant 0 : index
    %get3A_198 = vector.load %arg2[%get3A_196, %get3A_197] : memref<1664x32xf32, #tpu.memory_space<vmem>>, vector<256x32xf32>
    %dot_general3A_199 = arith.constant dense<0.000000e+00> : vector<256x32xf32>
    %dot_general3A_200 = tpu.matmul %mul3A_195, %get3A_198, %dot_general3A_199 {dimension_numbers = #tpu.dot_dimension_numbers<[1], [0], [0], [1], [0, 0, 1, 1], [], []>, transpose_lhs_hint = false} : vector<256x256xf32>, vector<256x32xf32>, vector<256x32xf32> -> vector<256x32xf32>
    %slice3A_201 = vector.extract_strided_slice %dot_general3A_200 {offsets = [0, 0], sizes = [256, 4], strides = [1, 1]} : vector<256x32xf32> to vector<256x4xf32>
    %slice3A_202 = vector.extract_strided_slice %get3A_1 {offsets = [0, 0], sizes = [256, 192], strides = [1, 1]} : vector<256x1664xf32> to vector<256x192xf32>
    %slice3A_203 = vector.extract_strided_slice %get3A_1 {offsets = [0, 1472], sizes = [256, 192], strides = [1, 1]} : vector<256x1664xf32> to vector<256x192xf32>
    %mul3A_204 = arith.mulf %slice3A_202, %slice3A_203 : vector<256x192xf32>
    %get3A_205 = arith.constant 0 : index
    %get3A_206 = arith.constant 0 : index
    %get3A_207 = vector.load %arg2[%get3A_205, %get3A_206] : memref<1664x32xf32, #tpu.memory_space<vmem>>, vector<192x32xf32>
    %dot_general3A_208 = arith.constant dense<0.000000e+00> : vector<256x32xf32>
    %dot_general3A_209 = tpu.matmul %mul3A_204, %get3A_207, %dot_general3A_208 {dimension_numbers = #tpu.dot_dimension_numbers<[1], [0], [0], [1], [0, 0, 1, 1], [], []>, transpose_lhs_hint = false} : vector<256x192xf32>, vector<192x32xf32>, vector<256x32xf32> -> vector<256x32xf32>
    %slice3A_210 = vector.extract_strided_slice %dot_general3A_209 {offsets = [0, 0], sizes = [256, 3], strides = [1, 1]} : vector<256x32xf32> to vector<256x3xf32>
    %slice3A_211 = vector.extract_strided_slice %get3A_1 {offsets = [0, 0], sizes = [256, 128], strides = [1, 1]} : vector<256x1664xf32> to vector<256x128xf32>
    %slice3A_212 = vector.extract_strided_slice %get3A_1 {offsets = [0, 1536], sizes = [256, 128], strides = [1, 1]} : vector<256x1664xf32> to vector<256x128xf32>
    %mul3A_213 = arith.mulf %slice3A_211, %slice3A_212 : vector<256x128xf32>
    %get3A_214 = arith.constant 0 : index
    %get3A_215 = arith.constant 0 : index
    %get3A_216 = vector.load %arg2[%get3A_214, %get3A_215] : memref<1664x32xf32, #tpu.memory_space<vmem>>, vector<128x32xf32>
    %dot_general3A_217 = arith.constant dense<0.000000e+00> : vector<256x32xf32>
    %dot_general3A_218 = tpu.matmul %mul3A_213, %get3A_216, %dot_general3A_217 {dimension_numbers = #tpu.dot_dimension_numbers<[1], [0], [0], [1], [0, 0, 1, 1], [], []>, transpose_lhs_hint = false} : vector<256x128xf32>, vector<128x32xf32>, vector<256x32xf32> -> vector<256x32xf32>
    %slice3A_219 = vector.extract_strided_slice %dot_general3A_218 {offsets = [0, 0], sizes = [256, 2], strides = [1, 1]} : vector<256x32xf32> to vector<256x2xf32>
    %slice3A_220 = vector.extract_strided_slice %get3A_1 {offsets = [0, 0], sizes = [256, 64], strides = [1, 1]} : vector<256x1664xf32> to vector<256x64xf32>
    %slice3A_221 = vector.extract_strided_slice %get3A_1 {offsets = [0, 1600], sizes = [256, 64], strides = [1, 1]} : vector<256x1664xf32> to vector<256x64xf32>
    %mul3A_222 = arith.mulf %slice3A_220, %slice3A_221 : vector<256x64xf32>
    %get3A_223 = arith.constant 0 : index
    %get3A_224 = arith.constant 0 : index
    %get3A_225 = vector.load %arg2[%get3A_223, %get3A_224] : memref<1664x32xf32, #tpu.memory_space<vmem>>, vector<64x32xf32>
    %dot_general3A_226 = arith.constant dense<0.000000e+00> : vector<256x32xf32>
    %dot_general3A_227 = tpu.matmul %mul3A_222, %get3A_225, %dot_general3A_226 {dimension_numbers = #tpu.dot_dimension_numbers<[1], [0], [0], [1], [0, 0, 1, 1], [], []>, transpose_lhs_hint = false} : vector<256x64xf32>, vector<64x32xf32>, vector<256x32xf32> -> vector<256x32xf32>
    %slice3A_228 = vector.extract_strided_slice %dot_general3A_227 {offsets = [0, 0], sizes = [256, 1], strides = [1, 1]} : vector<256x32xf32> to vector<256x1xf32>
    %broadcast_in_dim3A = arith.constant 0.000000e+00 : f32
    %broadcast_in_dim3A_229 = vector.broadcast %broadcast_in_dim3A : f32 to vector<256x59xf32>
    %concatenate3A = tpu.concatenate %slice3A_12, %slice3A_21, %slice3A_30, %slice3A_39, %slice3A_48, %slice3A_57, %slice3A_66, %slice3A_75, %slice3A_84, %slice3A_93, %slice3A_102, %slice3A_111, %slice3A_120, %slice3A_129, %slice3A_138, %slice3A_147, %slice3A_156, %slice3A_165, %slice3A_174, %slice3A_183, %slice3A_192, %slice3A_201, %slice3A_210, %slice3A_219, %slice3A_228, %broadcast_in_dim3A_229 in 1 : vector<256x25xf32>, vector<256x24xf32>, vector<256x23xf32>, vector<256x22xf32>, vector<256x21xf32>, vector<256x20xf32>, vector<256x19xf32>, vector<256x18xf32>, vector<256x17xf32>, vector<256x16xf32>, vector<256x15xf32>, vector<256x14xf32>, vector<256x13xf32>, vector<256x12xf32>, vector<256x11xf32>, vector<256x10xf32>, vector<256x9xf32>, vector<256x8xf32>, vector<256x7xf32>, vector<256x6xf32>, vector<256x5xf32>, vector<256x4xf32>, vector<256x3xf32>, vector<256x2xf32>, vector<256x1xf32>, vector<256x59xf32> -> vector<256x384xf32>
    %convert_element_type3A_230 = arith.truncf %concatenate3A : vector<256x384xf32> to vector<256x384xbf16>
    %get3A_231 = arith.constant 0 : index
    %get3A_232 = arith.constant 0 : index
    %get3A_233 = vector.load %arg4[%get3A_231, %get3A_232] : memref<384x1024xbf16, #tpu.memory_space<vmem>>, vector<384x1024xbf16>
    %dot_general3A_234 = arith.constant dense<0.000000e+00> : vector<256x1024xf32>
    %dot_general3A_235 = tpu.matmul %convert_element_type3A_230, %get3A_233, %dot_general3A_234 {dimension_numbers = #tpu.dot_dimension_numbers<[1], [0], [0], [1], [0, 0, 1, 1], [], []>, transpose_lhs_hint = false} : vector<256x384xbf16>, vector<384x1024xbf16>, vector<256x1024xf32> -> vector<256x1024xf32>
    %add3A = arith.addf %dot_general3A_5, %dot_general3A_235 : vector<256x1024xf32>
    %get3A_236 = arith.constant 0 : index
    %get3A_237 = arith.constant 0 : index
    %get3A_238 = vector.load %arg5[%get3A_236, %get3A_237] : memref<1x1024xf32, #tpu.memory_space<vmem>>, vector<1x1024xf32>
    %add3A_239 = vector.broadcast %get3A_238 : vector<1x1024xf32> to vector<256x1024xf32>
    %add3A_240 = arith.addf %add3A, %add3A_239 : vector<256x1024xf32>
    %max3A = arith.constant 0.000000e+00 : f32
    %max3A_241 = vector.broadcast %max3A : f32 to vector<256x1024xf32>
    %max3A_242 = arith.maximumf %add3A_240, %max3A_241 : vector<256x1024xf32>
    %convert_element_type3A_243 = arith.truncf %max3A_242 : vector<256x1024xf32> to vector<256x1024xbf16>
    %get3A_244 = arith.constant 0 : index
    %get3A_245 = arith.constant 0 : index
    %get3A_246 = vector.load %arg6[%get3A_244, %get3A_245] : memref<1024x512xbf16, #tpu.memory_space<vmem>>, vector<1024x512xbf16>
    %dot_general3A_247 = arith.constant dense<0.000000e+00> : vector<256x512xf32>
    %dot_general3A_248 = tpu.matmul %convert_element_type3A_243, %get3A_246, %dot_general3A_247 {dimension_numbers = #tpu.dot_dimension_numbers<[1], [0], [0], [1], [0, 0, 1, 1], [], []>, transpose_lhs_hint = false} : vector<256x1024xbf16>, vector<1024x512xbf16>, vector<256x512xf32> -> vector<256x512xf32>
    %get3A_249 = arith.constant 0 : index
    %get3A_250 = arith.constant 0 : index
    %get3A_251 = vector.load %arg7[%get3A_249, %get3A_250] : memref<1x512xf32, #tpu.memory_space<vmem>>, vector<1x512xf32>
    %add3A_252 = vector.broadcast %get3A_251 : vector<1x512xf32> to vector<256x512xf32>
    %add3A_253 = arith.addf %dot_general3A_248, %add3A_252 : vector<256x512xf32>
    %max3A_254 = arith.constant 0.000000e+00 : f32
    %max3A_255 = vector.broadcast %max3A_254 : f32 to vector<256x512xf32>
    %max3A_256 = arith.maximumf %add3A_253, %max3A_255 : vector<256x512xf32>
    %convert_element_type3A_257 = arith.truncf %max3A_256 : vector<256x512xf32> to vector<256x512xbf16>
    %get3A_258 = arith.constant 0 : index
    %get3A_259 = arith.constant 0 : index
    %get3A_260 = vector.load %arg8[%get3A_258, %get3A_259] : memref<512x256xbf16, #tpu.memory_space<vmem>>, vector<512x256xbf16>
    %dot_general3A_261 = arith.constant dense<0.000000e+00> : vector<256x256xf32>
    %dot_general3A_262 = tpu.matmul %convert_element_type3A_257, %get3A_260, %dot_general3A_261 {dimension_numbers = #tpu.dot_dimension_numbers<[1], [0], [0], [1], [0, 0, 1, 1], [], []>, transpose_lhs_hint = false} : vector<256x512xbf16>, vector<512x256xbf16>, vector<256x256xf32> -> vector<256x256xf32>
    %get3A_263 = arith.constant 0 : index
    %get3A_264 = arith.constant 0 : index
    %get3A_265 = vector.load %arg9[%get3A_263, %get3A_264] : memref<1x256xf32, #tpu.memory_space<vmem>>, vector<1x256xf32>
    %add3A_266 = vector.broadcast %get3A_265 : vector<1x256xf32> to vector<256x256xf32>
    %add3A_267 = arith.addf %dot_general3A_262, %add3A_266 : vector<256x256xf32>
    %max3A_268 = arith.constant 0.000000e+00 : f32
    %max3A_269 = vector.broadcast %max3A_268 : f32 to vector<256x256xf32>
    %max3A_270 = arith.maximumf %add3A_267, %max3A_269 : vector<256x256xf32>
    %convert_element_type3A_271 = arith.truncf %max3A_270 : vector<256x256xf32> to vector<256x256xbf16>
    %get3A_272 = arith.constant 0 : index
    %get3A_273 = arith.constant 0 : index
    %get3A_274 = vector.load %arg10[%get3A_272, %get3A_273] : memref<256x1xbf16, #tpu.memory_space<vmem>>, vector<256x1xbf16>
    %dot_general3A_275 = arith.constant dense<0.000000e+00> : vector<256x1xf32>
    %dot_general3A_276 = tpu.matmul %convert_element_type3A_271, %get3A_274, %dot_general3A_275 {dimension_numbers = #tpu.dot_dimension_numbers<[1], [0], [0], [1], [0, 0, 1, 1], [], []>, transpose_lhs_hint = false} : vector<256x256xbf16>, vector<256x1xbf16>, vector<256x1xf32> -> vector<256x1xf32>
    %get3A_277 = arith.constant 0 : index
    %get3A_278 = arith.constant 0 : index
    %get3A_279 = vector.load %arg11[%get3A_277, %get3A_278] : memref<1x1xf32, #tpu.memory_space<vmem>>, vector<1x1xf32>
    %add3A_280 = vector.broadcast %get3A_279 : vector<1x1xf32> to vector<256x1xf32>
    %add3A_281 = arith.addf %dot_general3A_276, %add3A_280 : vector<256x1xf32>
    %swap3A = arith.constant 0 : index
    %swap3A_282 = arith.constant 0 : index
    %swap3A_283 = vector.load %arg12[%swap3A, %swap3A_282] : memref<256x1xf32, #tpu.memory_space<vmem>>, vector<256x1xf32>
    tpu.vector_store %arg12[%swap3A, %swap3A_282], %add3A_281 {strides = array<i32>} : memref<256x1xf32, #tpu.memory_space<vmem>>, vector<256x1xf32>,
    return
  }
  func.func @transform_0(%arg0: i32) -> (i32, i32) {
    %c0_i32 = arith.constant 0 : i32
    %c0_i32_0 = arith.constant 0 : i32
    return %arg0, %c0_i32 : i32, i32
  }
  func.func @transform_1(%arg0: i32) -> (i32, i32) {
    %c0_i32 = arith.constant 0 : i32
    %c0_i32_0 = arith.constant 0 : i32
    %c0_i32_1 = arith.constant 0 : i32
    return %c0_i32, %c0_i32_0 : i32, i32
  }
  func.func @transform_2(%arg0: i32) -> (i32, i32) {
    %c0_i32 = arith.constant 0 : i32
    %c0_i32_0 = arith.constant 0 : i32
    %c0_i32_1 = arith.constant 0 : i32
    return %c0_i32, %c0_i32_0 : i32, i32
  }
  func.func @transform_3(%arg0: i32) -> (i32, i32) {
    %c0_i32 = arith.constant 0 : i32
    %c0_i32_0 = arith.constant 0 : i32
    %c0_i32_1 = arith.constant 0 : i32
    return %c0_i32, %c0_i32_0 : i32, i32
  }
  func.func @transform_4(%arg0: i32) -> (i32, i32) {
    %c0_i32 = arith.constant 0 : i32
    %c0_i32_0 = arith.constant 0 : i32
    %c0_i32_1 = arith.constant 0 : i32
    return %c0_i32, %c0_i32_0 : i32, i32
  }
  func.func @transform_5(%arg0: i32) -> (i32, i32) {
    %c0_i32 = arith.constant 0 : i32
    %c0_i32_0 = arith.constant 0 : i32
    %c0_i32_1 = arith.constant 0 : i32
    return %c0_i32, %c0_i32_0 : i32, i32
  }
  func.func @transform_6(%arg0: i32) -> (i32, i32) {
    %c0_i32 = arith.constant 0 : i32
    %c0_i32_0 = arith.constant 0 : i32
    %c0_i32_1 = arith.constant 0 : i32
    return %c0_i32, %c0_i32_0 : i32, i32
  }
  func.func @transform_7(%arg0: i32) -> (i32, i32) {
    %c0_i32 = arith.constant 0 : i32
    %c0_i32_0 = arith.constant 0 : i32
    %c0_i32_1 = arith.constant 0 : i32
    return %c0_i32, %c0_i32_0 : i32, i32
  }
  func.func @transform_8(%arg0: i32) -> (i32, i32) {
    %c0_i32 = arith.constant 0 : i32
    %c0_i32_0 = arith.constant 0 : i32
    %c0_i32_1 = arith.constant 0 : i32
    return %c0_i32, %c0_i32_0 : i32, i32
  }
  func.func @transform_9(%arg0: i32) -> (i32, i32) {
    %c0_i32 = arith.constant 0 : i32
    %c0_i32_0 = arith.constant 0 : i32
    %c0_i32_1 = arith.constant 0 : i32
    return %c0_i32, %c0_i32_0 : i32, i32
  }
  func.func @transform_10(%arg0: i32) -> (i32, i32) {
    %c0_i32 = arith.constant 0 : i32
    %c0_i32_0 = arith.constant 0 : i32
    %c0_i32_1 = arith.constant 0 : i32
    return %c0_i32, %c0_i32_0 : i32, i32
  }
  func.func @transform_11(%arg0: i32) -> (i32, i32) {
    %c0_i32 = arith.constant 0 : i32
    %c0_i32_0 = arith.constant 0 : i32
    return %arg0, %c0_i32 : i32, i32
  }
}

</mosaic_0001>

<sc_bundles>
// kernel: kernel.4.cloned.1.call-start
scs
__scs_entry_jumppad:
0x0: {  	(pc) =	sbr.rel $0x88, $3  }
0x1: {  	(tag) =	ssettag $0x0;
	lr =	simm.s32 $0x1  }
0x2: {  	[smem:$0x3F95] =	sst lr;
	_ =	strace $0xD0000000  }
0x3: {  	_ = 	snop  }
0x4: {  	_ = 	snop  }
0x5: {  	_ = 	snop  }
0x6: {  	_ = 	snop  }
0x7: {  	_ = 	snop  }
__scs_overlays_trampoline_lowered:
0x8: {  	[smem:$0x3FA4] =	sst s0  }
0x9: {  	[smem:$0x3FA5] =	sst s1  }
0xa: {  	[smem:$0x3FA6] =	sst s2  }
0xb: {  	[smem:$0x3FA7] =	sst s3  }
0xc: {  	[smem:$0x3FA8] =	sst s4  }
0xd: {  	[smem:$0x3FA9] =	sst s5  }
0xe: {  	[smem:$0x3FAA] =	sst s6  }
0xf: {  	[smem:$0x3FAB] =	sst s7  }
0x10: {  	[smem:$0x3FAC] =	sst s8  }
0x11: {  	[smem:$0x3FAD] =	sst s9;
	s0 =	simm.s32 @!p0 $0x0  }
0x12: {  	s1 =	sld [smem:$0x3F93];
	s0 =	simm.s32 @p0 $0x1  }
0x13: {  	[smem:$0x3FAE] =	sst s0;
	s0 =	simm.s32 @!p1 $0x0  }
0x14: {  	s2 =	sld [smem:$0x3F92];
	s0 =	simm.s32 @p1 $0x1  }
0x15: {  	[smem:$0x3FAF] =	sst s0;
	s0 =	simm.s32 @!p2 $0x0  }
0x16: {  	s3 =	sld [smem:$0x3FDB];
	s0 =	simm.s32 @p2 $0x1  }
0x17: {  	s4 =	simm.s32 $0x1BF5;
	[smem:$0x3FB1] =	sst s0  }
0x18: {  	s0 =	sld [smem:$0x3F94];
	_ =	swait.ge [sflag:s4], $0x0  }
0x19: {  	s7 =	sld [smem:$0x3F95]  }
0x1a: {  	s8 =	sadd.s32 $0xFFFFE003, lr  }
0x1b: {  	s9 =	sadd.s32 $0xFFFFFEF7, lr;
	s5 =	simm.s32 $0xFFFFFFFF;
	p2 =	slt.u32 s8, $0xFFFFF086  }
0x1c: {  	p1 =	slt.u32 s9, $0xF7A;
	s5 =	simm.s32 @!p2 $0x0  }
0x1d: {  	s5 =	simm.s32 @p1 $0x1;
	p0 =	seq.s32 s7, s2  }
0x1e: {  	s7 =	smul.u32 @!p0 $0xF7A, s2;
	p2 =	seq.s32 @!p0 s5, $0x0  }
0x1f: {  	s9 =	smul.u32 $0xF7A, s1;
	s8 =	simm.s32 @!p0 $0x1BF5;
	p2 =	por !p2, p0  }
0x20: {  	[sflag:s8] =	ssyncset.s32 @!p0 $0xFFFFF086;
	s6 =	sadd.s32 @!p0 s3, s7;
	s7 =	simm.s32 @!p0 $0x108  }
0x21: {  	s3 =	sadd.s32 s3, s9;
	s6 =	sadd.s32 @!p0 $0x88, s6;
	s7 =	simm.s32 @p2 $0x1082  }
0x22: {  	[simem:s7], [sflag:s8] =	dma.local @!p0 [hbm:s6], $0xF7A  }
0x23: {  	s9 =	sor.u32 $0xD0000000, s2;
	s6 =	simm.s32 $0x108;
	_ =	swait.ge @!p0 [sflag:s8], $0x0  }
0x24: {  	s3 =	sadd.s32 $0x88, s3;
	s6 =	simm.s32 @!p1 $0x1082;
	[sflag:s4] =	ssyncset.s32 $0xFFFFF086  }
0x25: {  	[simem:s6], [sflag:s4] =	dma.local [hbm:s3], $0xF7A  }
0x26: {  	[smem:$0x3F95] =	sst s1;
	(tag) =	ssettag s2;
	_ =	strace s9  }
0x27: {  	s1 =	sld [smem:$0x3FA5]  }
0x28: {  	s2 =	sld [smem:$0x3FA6]  }
0x29: {  	s4 =	sld [smem:$0x3FA8]  }
0x2a: {  	p0 =	seq.s32 s5, $0x0;
	s5 =	sld [smem:$0x3FA9]  }
0x2b: {  	s6 =	sld [smem:$0x3FAA]  }
0x2c: {  	s7 =	sld [smem:$0x3FAB]  }
0x2d: {  	s3 =	simm.s32 $0x108;
	s8 =	sld [smem:$0x3FAC]  }
0x2e: {  	s3 =	simm.s32 @!p0 $0x1082;
	s9 =	sld [smem:$0x3FAD]  }
0x2f: {  	lr =	sadd.s32 s0, s3;
	s0 =	sld [smem:$0x3FA4]  }
0x30: {  	s3 =	sld [smem:$0x3FA7]  }
0x31: {  	[smem:$0x3FB0] =	sst s10  }
0x32: {  	s10 =	sld [smem:$0x3FAE];
	_ =	sdelay $0x3  }
0x33: {  	p0 =	seq.s32 s10, $0x1;
	s10 =	sld [smem:$0x3FB0];
	_ =	sdelay $0x3  }
0x34: {  	[smem:$0x3FB0] =	sst s10  }
0x35: {  	s10 =	sld [smem:$0x3FAF];
	_ =	sdelay $0x3  }
0x36: {  	p1 =	seq.s32 s10, $0x1;
	s10 =	sld [smem:$0x3FB0];
	_ =	sdelay $0x3  }
0x37: {  	[smem:$0x3FB0] =	sst s10  }
0x38: {  	s10 =	sld [smem:$0x3FB1]  }
0x39: {  	_ = 	snop;
	(pc) =	sbr.ind lr, $3  }
0x3a: {  	_ = 	snop  }
0x3b: {  	_ = 	snop  }
0x3c: {  	p2 =	seq.s32 s10, $0x1;
	s10 =	sld [smem:$0x3FB0]  }
0x3d: {  	_ =	shalt  }
0x3e: {  	_ =	shalt  }
0x3f: {  	_ =	shalt  }
0x40: {  	_ =	shalt  }
0x41: {  	_ =	shalt  }
0x42: {  	_ =	shalt  }
0x43: {  	_ =	shalt  }
0x44: {  	_ =	shalt  }
0x45: {  	_ =	shalt  }
0x46: {  	_ =	shalt  }
0x47: {  	_ =	shalt  }
0x48: {  	_ =	shalt  }
0x49: {  	_ =	shalt  }
0x4a: {  	_ =	shalt  }
0x4b: {  	_ =	shalt  }
0x4c: {  	_ =	shalt  }
0x4d: {  	_ =	shalt  }
0x4e: {  	_ =	shalt  }
0x4f: {  	_ =	shalt  }
0x50: {  	_ =	shalt  }
0x51: {  	_ =	shalt  }
0x52: {  	_ =	shalt  }
0x53: {  	_ =	shalt  }
0x54: {  	_ =	shalt  }
0x55: {  	_ =	shalt  }
0x56: {  	_ =	shalt  }
0x57: {  	_ =	shalt  }
0x58: {  	_ =	shalt  }
0x59: {  	_ =	shalt  }
0x5a: {  	_ =	shalt  }
0x5b: {  	_ =	shalt  }
0x5c: {  	_ =	shalt  }
0x5d: {  	_ =	shalt  }
0x5e: {  	_ =	shalt  }
0x5f: {  	_ =	shalt  }
0x60: {  	_ =	shalt  }
0x61: {  	_ =	shalt  }
0x62: {  	_ =	shalt  }
0x63: {  	_ =	shalt  }
0x64: {  	_ =	shalt  }
0x65: {  	_ =	shalt  }
0x66: {  	_ =	shalt  }
0x67: {  	_ =	shalt  }
0x68: {  	_ =	shalt  }
0x69: {  	_ =	shalt  }
0x6a: {  	_ =	shalt  }
0x6b: {  	_ =	shalt  }
0x6c: {  	_ =	shalt  }
0x6d: {  	_ =	shalt  }
0x6e: {  	_ =	shalt  }
0x6f: {  	_ =	shalt  }
0x70: {  	_ =	shalt  }
0x71: {  	_ =	shalt  }
0x72: {  	_ =	shalt  }
0x73: {  	_ =	shalt  }
0x74: {  	_ =	shalt  }
0x75: {  	_ =	shalt  }
0x76: {  	_ =	shalt  }
0x77: {  	_ =	shalt  }
0x78: {  	_ =	shalt  }
0x79: {  	_ =	shalt  }
0x7a: {  	_ =	shalt  }
0x7b: {  	_ =	shalt  }
0x7c: {  	_ =	shalt  }
0x7d: {  	_ =	shalt  }
0x7e: {  	_ =	shalt  }
0x7f: {  	_ =	shalt  }
0x80: {  	_ =	shalt  }
0x81: {  	_ =	shalt  }
0x82: {  	_ =	shalt  }
0x83: {  	_ =	shalt  }
0x84: {  	_ =	shalt  }
0x85: {  	_ =	shalt  }
0x86: {  	_ =	shalt  }
0x87: {  	_ =	shalt  }
.Lfunc_end0:
.L_simem_size_0:
called_computation_lowered:
.L_overlay_start_0:
0x88: {  	s2 =	sld [smem:$0x3FD9]  }
0x89: {  	s3 =	sld [smem:$0x3FFE];
	_ =	sdelay $0x1  }
0x8a: {  	s1 =	srdreg.scid  }
0x8b: {  	s0 =	sand.u32 $0x1, s1  }
0x8c: {  	s16 =	sshll.u32 s0, $0xA;
	s2 =	sadd.s32 s3, s2  }
0x8d: {  	s2 =	sadd.s32 s2, s16  }
0x8e: {  	[smem:$0x3FBC] =	sst s2  }
0x8f: {  	_ = 	snop  }
0x90: {  	(tm) =	ssettm $0x1  }
0x91: {  	s17 =	sld [smem:$0x3FFB];
	_ =	sdelay $0x3  }
0x92: {  	_ =	strace s17  }
0x93: {  	s2 =	sld [smem:$0x3FFC];
	_ =	sdelay $0x3  }
0x94: {  	_ =	strace s2  }
0x95: {  	s2 =	sld [smem:$0x3FFD];
	_ =	sdelay $0x3  }
0x96: {  	_ =	strace s2  }
0x97: {  	_ =	strace $0x8FFFFFFF  }
0x98: {  	s18 =	sld [smem:$0x3FDB];
	_ =	sdelay $0x1  }
0x99: {  	s19 =	simm.s32 $_scs_section_size  }
0x9a: {  	s4 =	simm.s32 $_size__tile_overlayer_lowered;
	s5 =	simm.s32 $_tile_overlayer_lowered  }
0x9b: {  	s22 =	simm.s32 $0x1BFF;
	s21 =	sshll.u32 s5, $0x1;
	s2 =	sadd.s32 s19, s18  }
0x9c: {  	s6 =	simm.s32 $0x0;
	s20 =	sshll.u32 s4, $0x1;
	s4 =	sadd.s32 s21, s2  }
0x9d: {  	[timem:s6], [sflag:s22] =	dma.local [hbm:s4], s20  }
0x9e: {  	_ =	swait.ge [sflag:s22], s20  }
0x9f: {  	s3 =	ssub.s32 $0x0, s20;
	[sflag:s22] =	ssyncset.done $0x0  }
0xa0: {  	[sflag:s22] =	ssyncadd.s32 s3;
	_ =	sdelay $0x1  }
0xa1: {  	s23 =	simm.s32 $0x1B8B  }
0xa2: {  	_ =	swait.ge [sflag:s23], $0x1  }
0xa3: {  	[sflag:s23] =	ssyncset.done $0x0  }
0xa4: {  	s25 =	simm.s32 $0x1B8E;
	s24 =	sld [smem:$0x3FFE];
	[sflag:s23] =	ssyncadd.s32 $0xFFFFFFFF  }
0xa5: {  	s26 =	simm.s32 $execute0_lowered;
	[smem:$0x3FD2] =	sst s25  }
0xa6: {  	s4 =	sshll.u32 s26, $0x1;
	_ =	strace $0x80000046;
	[dreg:$0x1] =	wrdreg $0xFFFFFFFF  }
0xa7: {  	s28 =	simm.s32 $_size_execute0_lowered;
	s2 =	sadd.s32 s2, s4;
	[dreg:$0x0] =	wrdreg $0x0  }
0xa8: {  	s4 =	sshll.u32 s28, $0x1;
	[dreg:$0x2] =	wrdreg s2  }
0xa9: {  	[dreg:$0x3] =	wrdreg s4  }
0xaa: {  	[dreg:$0x4] =	wrdreg $0xC0  }
0xab: {  	_ =	task [dreg:s6], $0x5FFFF  }
0xac: {  	[dreg:$0x1] =	wrdreg $0xFFFFFFFF  }
0xad: {  	[dreg:$0x0] =	wrdreg $0x60  }
0xae: {  	[dreg:$0x2] =	wrdreg s24  }
0xaf: {  	[dreg:$0x3] =	wrdreg $0x9  }
0xb0: {  	_ =	task.clear_ibuf [dreg:s6], $0x4FFFF;
	_ =	strace $0x90000046  }
0xb1: {  	s29 =	simm.s32 $0x9;
	_ =	strace $0x80000048  }
0xb2: {  	_ =	swait.ge [sflag:s29], $0x1  }
0xb3: {  	[sflag:s29] =	ssyncadd.s32 $0xFFFFFFFF  }
0xb4: {  	_ =	strace $0x90000048  }
0xb5: {  	_ =	sfence  }
0xb6: {  	s30 =	sld [smem:$0x0];
	_ =	sdelay $0x2  }
0xb7: {  	s31 =	sshll.u32 s1, $0xD;
	s1 =	sshrl.u32 s1, $0x2  }
0xb8: {  	s3 =	sand.u32 $0x4000, s31;
	s1 =	sadd.s32 s1, s30  }
0xb9: {  	s0 =	sor.u32 s3, s0;
	s1 =	sshll.u32 s1, $0x11  }
0xba: {  	s0 =	sor.u32 s1, s0  }
0xbb: {  	s0 =	sadd.s32 $0x8F2B, s0  }
0xbc: {  	[sflag:s0] =	ssyncadd.remote.s32 $0x1  }
0xbd: {  	_ =	sfence.sel $0xFFFF  }
0xbe: {  	[dreg:$0x0] =	wrdreg $0xFFFFFFFF;
	(pc) =	sbr.abs _section_cstart, $3  }
0xbf: {  	[dreg:$0x1] =	wrdreg $0xFFFFFFFF  }
0xc0: {  	_ =	task.clear_ibuf [dreg:s6], $0x2FFFF;
	_ =	strace $0x9FFFFFFF  }
0xc1: {  	(tm) =	ssettm $0x7FFFFFFF  }
tec
execute0_lowered:
.L_overlay_start_1:
0x0: {  	(tag) =	ssettag $0x1  }
0x1: {  	s1 =	srdreg.scid;
	s0 =	stileid.u32  }
0x2: {  	s10 =	sand.u32 $0x1, s1;
	s26 =	sshll.u32 s0, $0x1  }
0x3: {  	s8 =	sor.u32 s10, s26  }
0x4: {  	s9 =	rddreg [dreg:$0x0];
	s11 =	smul.u32 $0xD00, s8  }
0x5: {  	s2 =	simm.s32 $0x0;
	s1 =	rddreg [dreg:$0x1]  }
0x6: {  	[smem:$0x7FF] =	sst s2;
	s12 =	sadd.s32 $0x33C00, s9;
	s3 =	sshrl.u32 s11, $0x3  }
0x7: {  	_ =	strace $0x80000047;
	s4 =	sadd.s32 s12, s3;
	s3 =	simm.s32 $0x2  }
0x8: {  	[tilespmem:s2], [sflag:$0x2] =	stream.linear.gather [hbm4b:s4+s2], $0x680, $0x38;
	[tilespmem:$0x1A680] =	vst v63  }
0x9: {  	_ =	swait.ge [sflag:s3], $0x680  }
0xa: {  	s6 =	simm.s32 $0x680;
	[sflag:s3] =	ssyncset.done $0x0  }
0xb: {  	s7 =	simm.s32 $0x1;
	s5 =	sadd.s32 $0xE00, s9;
	[sflag:s3] =	ssyncadd.s32 $0xFFFFF980  }
0xc: {  	[tilespmem:s6], [sflag:$0x1] =	stream.indirect.gather [hbm4b:s5+s6], $0x40, s2, s6, $0xb8;
	[tilespmem:$0x1A680] =	vst v63  }
0xd: {  	s8 =	smul.u32 $0x6800, s8;
	_ =	swait.ge [sflag:s7], $0x1A000  }
0xe: {  	s13 =	sadd.s32 $0x37000, s9;
	[sflag:s7] =	ssyncset.done $0x0  }
0xf: {  	s8 =	sadd.s32 s13, s8;
	[sflag:s7] =	ssyncadd.s32 $0xFFFE6000  }
0x10: {  	[hbm4b:s8+s2] =	stream.linear.scatter [tilespmem:s6], [sflag:$0x2], $0x1A000, $0x38;
	[tilespmem:$0x1A680] =	vst v63  }
0x11: {  	s11 =	sadd.s32 $0x680, s11;
	_ =	swait.ge [sflag:s3], $0x1A000  }
0x12: {  	s28 =	sshrl.u32 s11, $0x3;
	[sflag:s3] =	ssyncset.done $0x0  }
0x13: {  	s10 =	ssub.s32 $0x2, s10;
	s9 =	sadd.s32 s12, s28;
	[sflag:s3] =	ssyncadd.s32 $0xFFFE6000  }
0x14: {  	[tilespmem:s2], [sflag:$0x2] =	stream.linear.gather [hbm4b:s9+s2], $0x680, $0x38;
	[tilespmem:$0x1A680] =	vst v63  }
0x15: {  	s29 =	sshrl.u32 s10, $0x1;
	_ =	swait.ge [sflag:s3], $0x680  }
0x16: {  	s12 =	ssub.s32 s10, s29;
	[sflag:s3] =	ssyncset.done $0x0  }
0x17: {  	s31 =	smax.u32 s12, $0x1;
	[sflag:s3] =	ssyncadd.s32 $0xFFFFF980  }
0x18: {  	[tilespmem:s6], [sflag:$0x1] =	stream.indirect.gather [hbm4b:s5+s6], $0x40, s2, s6, $0xb8;
	[tilespmem:$0x1A680] =	vst v63  }
0x19: {  	p0 =	sne.s32 s31, $0x1;
	_ =	swait.ge [sflag:s7], $0x1A000  }
.Ltmp0:
0x1a: {  	s30 =	sshll.u32 s11, $0x3;
	[sflag:s7] =	ssyncset.done $0x0;
	(pc) =	sbr.rel @!p0 .LBB2_2-.Ltmp0, $4  }
0x1b: {  	s10 =	sadd.s32 s13, s30;
	[sflag:s7] =	ssyncadd.s32 $0xFFFE6000  }
0x1c: {  	[hbm4b:s10+s2] =	stream.linear.scatter [tilespmem:s6], [sflag:$0x2], $0x1A000, $0x38;
	[tilespmem:$0x1A680] =	vst v63  }
0x1d: {  	_ =	swait.ge [sflag:s3], $0x1A000  }
0x1e: {  	s11 =	sadd.s32 $0xFFFFFFFF, s31;
	[sflag:s3] =	ssyncset.done $0x0  }
.LBB2_1:
0x1f: {  	p0 =	sne.s32 s11, $0x1;
	s11 =	sadd.s32 $0xFFFFFFFF, s11;
	[sflag:s3] =	ssyncadd.s32 $0xFFFE6000  }
0x20: {  	[tilespmem:s2], [sflag:$0x2] =	stream.linear.gather [hbm4b:s4+s2], $0x680, $0x38;
	[tilespmem:$0x1A680] =	vst v63  }
0x21: {  	_ =	swait.ge [sflag:s3], $0x680  }
0x22: {  	[sflag:s3] =	ssyncset.done $0x0  }
0x23: {  	[sflag:s3] =	ssyncadd.s32 $0xFFFFF980  }
0x24: {  	[tilespmem:s6], [sflag:$0x1] =	stream.indirect.gather [hbm4b:s5+s6], $0x40, s2, s6, $0xb8;
	[tilespmem:$0x1A680] =	vst v63  }
0x25: {  	_ =	swait.ge [sflag:s7], $0x1A000  }
0x26: {  	[sflag:s7] =	ssyncset.done $0x0  }
0x27: {  	[sflag:s7] =	ssyncadd.s32 $0xFFFE6000  }
0x28: {  	[hbm4b:s8+s2] =	stream.linear.scatter [tilespmem:s6], [sflag:$0x2], $0x1A000, $0x38;
	[tilespmem:$0x1A680] =	vst v63  }
0x29: {  	_ =	swait.ge [sflag:s3], $0x1A000  }
0x2a: {  	[sflag:s3] =	ssyncset.done $0x0  }
0x2b: {  	[sflag:s3] =	ssyncadd.s32 $0xFFFE6000  }
0x2c: {  	[tilespmem:s2], [sflag:$0x2] =	stream.linear.gather [hbm4b:s9+s2], $0x680, $0x38;
	[tilespmem:$0x1A680] =	vst v63  }
0x2d: {  	_ =	swait.ge [sflag:s3], $0x680  }
0x2e: {  	[sflag:s3] =	ssyncset.done $0x0  }
0x2f: {  	[sflag:s3] =	ssyncadd.s32 $0xFFFFF980  }
0x30: {  	[tilespmem:s6], [sflag:$0x1] =	stream.indirect.gather [hbm4b:s5+s6], $0x40, s2, s6, $0xb8;
	[tilespmem:$0x1A680] =	vst v63  }
0x31: {  	_ =	swait.ge [sflag:s7], $0x1A000  }
.Ltmp1:
0x32: {  	[sflag:s7] =	ssyncset.done $0x0;
	(pc) =	sbr.rel @p0 .LBB2_1-.Ltmp1, $4  }
0x33: {  	[sflag:s7] =	ssyncadd.s32 $0xFFFE6000  }
0x34: {  	[hbm4b:s10+s2] =	stream.linear.scatter [tilespmem:s6], [sflag:$0x2], $0x1A000, $0x38;
	[tilespmem:$0x1A680] =	vst v63  }
0x35: {  	_ =	swait.ge [sflag:s3], $0x1A000  }
0x36: {  	[sflag:s3] =	ssyncset.done $0x0  }
.LBB2_2:
0x37: {  	[sflag:s3] =	ssyncadd.s32 $0xFFFE6000  }
0x38: {  	_ =	sfence.sel $0x180000  }
0x39: {  	[bflag:$0x0] =	sbarrier.arrive $0xFFFF  }
0x3a: {  	p0 =	sne.s32 s0, $0x0;
	_ =	strace $0x90000047  }
0x3b: {  	s0 =	sadd.s32 @!p0 $0x100000, s1;
	[bflag:$0x2] =	sbarrier.arrive $0xFFFF  }
0x3c: {  	[sflag:s0] =	ssyncadd.tile.s32 @!p0 $0x1;
	_ =	shalt  }
.Lfunc_end2:
_tile_overlayer_lowered:
.L_overlay_start_2:
0x3d: {  	(tag) =	ssettag $0x2  }
0x3e: {  	s0 =	rddreg [dreg:$0x0];
	s2 =	stileid.u32  }
0x3f: {  	s1 =	rddreg [dreg:$0x1];
	p0 =	sne.s32 s2, $0x0  }
0x40: {  	s3 =	rddreg [dreg:$0x2];
	[bflag:$0x3] =	sbarrier.arrive $0xFFFF;
	s2 =	simm.s32 @!p0 $0x1C02  }
0x41: {  	[timem:s3], [sflag:s2] =	dma.local @!p0 [hbm:s0], s1  }
0x42: {  	s0 =	simm.s32 @!p0 $0x2  }
0x43: {  	_ =	swait.ge @!p0 [sflag:s0], s1  }
0x44: {  	s1 =	ssub.s32 @!p0 $0x0, s1;
	[sflag:s0] =	ssyncset.done @!p0 $0x0  }
0x45: {  	[sflag:s0] =	ssyncadd.s32 @!p0 s1  }
0x46: {  	[bflag:$0x3] =	sbarrier.arrive $0xFFFF  }
0x47: {  	_ =	shalt  }

</sc_bundles>
